<compile_context>
chip_gen: v7x
topology: tpu7x:2x2x1
jax: 0.10.2.dev20260603
libtpu: 0.0.44.dev20260713+nightly
codegen_flags: <defaults>
</compile_context>

<pallas_src>
import jax
import jax.numpy as jnp
from jax import lax
from jax.experimental import pallas as pl
from jax.experimental.pallas import tpu as pltpu
from jax.experimental.pallas import tpu_sc as plsc

N_NODES = 10000
N_EDGES = 320000
NC = 2
NS = 16
NW = NC * NS
LANES = 16
TILE = 128
N_TILES = N_EDGES // TILE
E_MAX = (N_TILES // NW + 1) * TILE
PADN = 10240


def _matmul_body(x_ref, w1t_ref, w2t_ref, y_ref):
    wt = jnp.concatenate([w1t_ref[...], w2t_ref[...]], axis=0)
    y2d = lax.dot_general(
        wt, x_ref[...], dimension_numbers=(((1,), (1,)), ((), ())),
        preferred_element_type=jnp.float32)
    y_ref[0:1, pl.ds(0, N_NODES)] = y2d[0:1, :]
    y_ref[0:1, pl.ds(PADN, N_NODES)] = y2d[1:2, :]


def _node_tables(X, W1, W2):
    return pl.pallas_call(
        _matmul_body,
        out_shape=jax.ShapeDtypeStruct((1, 2 * PADN), jnp.float32),
    )(X, W1.T, W2.T)


def _edge_body(y_hbm, ei_hbm, out_hbm, y_sh, y_v, ei_v, out_v,
               sem_y, sem_ei, sem_stage):
    sid = lax.axis_index("s")
    wid = sid * NC + lax.axis_index("c")
    t0 = wid * N_TILES // NW
    t1 = (wid + 1) * N_TILES // NW
    base = t0 * TILE
    n_w = (t1 - t0) * TILE

    cp_ei = pltpu.async_copy(ei_hbm.at[:, pl.ds(base, n_w)],
                             ei_v.at[:, pl.ds(0, n_w)], sem_ei)
    @pl.when(sid == 0)
    def _():
        pltpu.async_copy(y_hbm.at[0], y_sh, sem_stage).wait()

    plsc.subcore_barrier()
    cp_y = pltpu.async_copy(y_sh, y_v, sem_y)
    cp_y.wait()
    cp_ei.wait()

    dst_off = jnp.full((LANES,), PADN, jnp.int32)

    @plsc.parallel_loop(0, n_w, LANES, unroll=8)
    def _(off):
        s_idx = ei_v[0, pl.ds(off, LANES)]
        d_idx = ei_v[1, pl.ds(off, LANES)]
        g1 = plsc.load_gather(y_v, [s_idx])
        g2 = plsc.load_gather(y_v, [d_idx + dst_off])
        out_v[pl.ds(off, LANES)] = g1 + g2

    pltpu.sync_copy(out_v.at[pl.ds(0, n_w)], out_hbm.at[0, pl.ds(base, n_w)])


_edge_call = pl.kernel(
    _edge_body,
    out_type=jax.ShapeDtypeStruct((1, N_EDGES), jnp.float32),
    mesh=plsc.VectorSubcoreMesh(core_axis_name="c", subcore_axis_name="s"),
    compiler_params=pltpu.CompilerParams(needs_layout_passes=False),
    scratch_types=[
        pltpu.VMEM_SHARED((2 * PADN,), jnp.float32),
        pltpu.VMEM((2 * PADN,), jnp.float32),
        pltpu.VMEM((2, E_MAX), jnp.int32),
        pltpu.VMEM((E_MAX,), jnp.float32),
        pltpu.SemaphoreType.DMA,
        pltpu.SemaphoreType.DMA,
        pltpu.SemaphoreType.DMA,
    ],
)


def kernel(X, edge_index, W1, W2):
    Y = _node_tables(X, W1, W2)
    out = _edge_call(Y, edge_index.astype(jnp.int32))
    return out.reshape(N_EDGES, 1)

# --- scband reference (transcript-rebuilt; emitter-appended) ---
"""Pipeline reference for scband-mcmhedge-encoder-69681549410497 (READ-ONLY COPY).

The authoritative reference and input builder live on the scoring server;
editing this copy changes nothing except your own understanding.
"""

import jax, jax.numpy as jnp
import numpy as np

IN_CHANNELS = 128
OUT_CHANNELS = 1
N_NODES = 10000
N_EDGES = 320000


def setup_inputs(seed: int = 0) -> dict:
    key = jax.random.key(seed)
    k1, k2, k3, k4 = jax.random.split(key, 4)
    X = jax.random.normal(k1, (N_NODES, IN_CHANNELS), dtype=jnp.float32)
    edge_index = jax.random.randint(k2, (2, N_EDGES), 0, N_NODES, dtype=jnp.int64)
    # Linear(in, out, bias=False) weights, stored as [in, out] for x @ W
    W1 = jax.random.normal(k3, (IN_CHANNELS, OUT_CHANNELS), dtype=jnp.float32) * (1.0 / np.sqrt(IN_CHANNELS))
    W2 = jax.random.normal(k4, (IN_CHANNELS, OUT_CHANNELS), dtype=jnp.float32) * (1.0 / np.sqrt(IN_CHANNELS))
    return {"X": X, "edge_index": edge_index, "W1": W1, "W2": W2}


def reference(X, edge_index, W1, W2):
    # E[i,j] = W1 X[i] + W2 X[j]
    src = jnp.take(X, edge_index[0], axis=0)  # gather [E, d]
    dst = jnp.take(X, edge_index[1], axis=0)  # gather [E, d]
    return src @ W1 + dst @ W2  # [E, out_channels]

if __name__ == "__main__":
    import jax
    _d = setup_inputs()
    print(jax.jit(kernel)(*tuple(_d.values())))

</pallas_src>

<mosaic_0001>
#map = affine_map<(d0, d1) -> (0, 0)>
module attributes {stable_mosaic.version = 14 : i64} {
  func.func @_edge_body(%arg0: i32, %arg1: i32, %arg2: memref<1x20480xf32, #tpu.memory_space<hbm>>, %arg3: memref<2x320000xi32, #tpu.memory_space<hbm>>, %arg4: memref<1x320000xf32, #tpu.memory_space<hbm>>, %arg5: memref<20480xf32, #tpu.memory_space<vmem_shared>>, %arg6: memref<20480xf32, #tpu.memory_space<vmem>>, %arg7: memref<2x10112xi32, #tpu.memory_space<vmem>>, %arg8: memref<10112xf32, #tpu.memory_space<vmem>>, %arg9: memref<!tpu.dma_semaphore, #tpu.memory_space<semaphore_mem>>, %arg10: memref<!tpu.dma_semaphore, #tpu.memory_space<semaphore_mem>>, %arg11: memref<!tpu.dma_semaphore, #tpu.memory_space<semaphore_mem>>) attributes {dimension_semantics = [#tpu.dimension_semantics<core_parallel>, #tpu.dimension_semantics<subcore_parallel>], iteration_bounds = array<i64: 2, 16>, scalar_prefetch = 0 : i64, scratch_operands = 7 : i64, tpu.core_type = #tpu.core_type<sc_vector_subcore>, window_params = [{transform_indices = #map}, {transform_indices = #map}, {transform_indices = #map}]} {
    %mul3A = arith.constant 2 : i32
    %mul3A_0 = arith.muli %arg1, %mul3A : i32
    %add3A = arith.addi %mul3A_0, %arg0 : i32
    %mul3A_1 = arith.constant 2500 : i32
    %mul3A_2 = arith.muli %add3A, %mul3A_1 : i32
    %jit3A = arith.constant 32 : i32
    %div3A = arith.divsi %mul3A_2, %jit3A : i32
    %sign3A = arith.constant 0 : i32
    %sign3A_3 = arith.cmpi sgt, %mul3A_2, %sign3A : i32
    %sign3A_4 = arith.extui %sign3A_3 : i1 to i32
    %sign3A_5 = arith.constant 0 : i32
    %sign3A_6 = arith.cmpi slt, %mul3A_2, %sign3A_5 : i32
    %sign3A_7 = arith.extui %sign3A_6 : i1 to i32
    %sign3A_8 = arith.subi %sign3A_4, %sign3A_7 : i32
    %sign3A_9 = arith.constant 0 : i32
    %sign3A_10 = arith.cmpi sgt, %jit3A, %sign3A_9 : i32
    %sign3A_11 = arith.extui %sign3A_10 : i1 to i32
    %sign3A_12 = arith.constant 0 : i32
    %sign3A_13 = arith.cmpi slt, %jit3A, %sign3A_12 : i32
    %sign3A_14 = arith.extui %sign3A_13 : i1 to i32
    %sign3A_15 = arith.subi %sign3A_11, %sign3A_14 : i32
    %ne3A = arith.cmpi ne, %sign3A_8, %sign3A_15 : i32
    %rem3A = arith.remsi %mul3A_2, %jit3A : i32
    %ne3A_16 = arith.constant 0 : i32
    %ne3A_17 = arith.cmpi ne, %rem3A, %ne3A_16 : i32
    %and3A = arith.andi %ne3A, %ne3A_17 : i1
    %sub3A = arith.constant 1 : i32
    %sub3A_18 = arith.subi %div3A, %sub3A : i32
    %select_n3A = arith.select %and3A, %sub3A_18, %div3A : i32
    %add3A_19 = arith.constant 1 : i32
    %add3A_20 = arith.addi %add3A, %add3A_19 : i32
    %mul3A_21 = arith.constant 2500 : i32
    %mul3A_22 = arith.muli %add3A_20, %mul3A_21 : i32
    %jit3A_23 = arith.constant 32 : i32
    %div3A_24 = arith.divsi %mul3A_22, %jit3A_23 : i32
    %sign3A_25 = arith.constant 0 : i32
    %sign3A_26 = arith.cmpi sgt, %mul3A_22, %sign3A_25 : i32
    %sign3A_27 = arith.extui %sign3A_26 : i1 to i32
    %sign3A_28 = arith.constant 0 : i32
    %sign3A_29 = arith.cmpi slt, %mul3A_22, %sign3A_28 : i32
    %sign3A_30 = arith.extui %sign3A_29 : i1 to i32
    %sign3A_31 = arith.subi %sign3A_27, %sign3A_30 : i32
    %sign3A_32 = arith.constant 0 : i32
    %sign3A_33 = arith.cmpi sgt, %jit3A_23, %sign3A_32 : i32
    %sign3A_34 = arith.extui %sign3A_33 : i1 to i32
    %sign3A_35 = arith.constant 0 : i32
    %sign3A_36 = arith.cmpi slt, %jit3A_23, %sign3A_35 : i32
    %sign3A_37 = arith.extui %sign3A_36 : i1 to i32
    %sign3A_38 = arith.subi %sign3A_34, %sign3A_37 : i32
    %ne3A_39 = arith.cmpi ne, %sign3A_31, %sign3A_38 : i32
    %rem3A_40 = arith.remsi %mul3A_22, %jit3A_23 : i32
    %ne3A_41 = arith.constant 0 : i32
    %ne3A_42 = arith.cmpi ne, %rem3A_40, %ne3A_41 : i32
    %and3A_43 = arith.andi %ne3A_39, %ne3A_42 : i1
    %sub3A_44 = arith.constant 1 : i32
    %sub3A_45 = arith.subi %div3A_24, %sub3A_44 : i32
    %select_n3A_46 = arith.select %and3A_43, %sub3A_45, %div3A_24 : i32
    %mul3A_47 = arith.constant 128 : i32
    %mul3A_48 = arith.muli %select_n3A, %mul3A_47 : i32
    %sub3A_49 = arith.subi %select_n3A_46, %select_n3A : i32
    %mul3A_50 = arith.constant 128 : i32
    %mul3A_51 = arith.muli %sub3A_49, %mul3A_50 : i32
    %dma_start3A = arith.constant 0 : i32
    %dma_start3A_52 = arith.constant 0 : i32
    %dma_start3A_53 = tpu.memref_slice %arg7[%dma_start3A, %dma_start3A_52] <%mul3A_51> : memref<2x10112xi32, #tpu.memory_space<vmem>> -> memref<2x?xi32, #tpu.memory_space<vmem>>
    %dma_start3A_54 = arith.constant 0 : i32
    %dma_start3A_55 = tpu.memref_slice %arg3[%dma_start3A_54, %mul3A_48] <%mul3A_51> : memref<2x320000xi32, #tpu.memory_space<hbm>> -> memref<2x?xi32, #tpu.memory_space<hbm>>
    %dma_start3A_56 = arith.constant 0 : i32
    %dma_start3A_57 = arith.constant 0 : i32
    %dma_start3A_58 = tpu.memref_slice %arg7[%dma_start3A_56, %dma_start3A_57] <%mul3A_51> : memref<2x10112xi32, #tpu.memory_space<vmem>> -> memref<2x?xi32, #tpu.memory_space<vmem>>
    %dma_start3A_59 = arith.constant 0 : i32
    %dma_start3A_60 = tpu.memref_slice %arg3[%dma_start3A_59, %mul3A_48] <%mul3A_51> : memref<2x320000xi32, #tpu.memory_space<hbm>> -> memref<2x?xi32, #tpu.memory_space<hbm>>
    tpu.enqueue_dma source(%dma_start3A_60 : memref<2x?xi32, #tpu.memory_space<hbm>>) target(%dma_start3A_58 : memref<2x?xi32, #tpu.memory_space<vmem>>) target_semaphore(%arg10 : memref<!tpu.dma_semaphore, #tpu.memory_space<semaphore_mem>>)
    %eq3A = arith.constant 0 : i32
    %eq3A_61 = arith.cmpi eq, %arg1, %eq3A : i32
    %convert_element_type3A = arith.extui %eq3A_61 : i1 to i32
    %cond3A = arith.constant 0 : i32
    %cond3A_62 = arith.cmpi ne, %convert_element_type3A, %cond3A : i32
    scf.if %cond3A_62 {
      %dma_start3A_74 = arith.constant 0 : i32
      %dma_start3A_75 = arith.constant 0 : i32
      %dma_start3A_76 = tpu.memref_slice %arg2[%dma_start3A_74, %dma_start3A_75] : memref<1x20480xf32, #tpu.memory_space<hbm>> -> memref<1x20480xf32, #tpu.memory_space<hbm>>
      %dma_start3A_77 = tpu.memref_squeeze %dma_start3A_76 : memref<1x20480xf32, #tpu.memory_space<hbm>> -> memref<20480xf32, #tpu.memory_space<hbm>>
      tpu.enqueue_dma source(%dma_start3A_77 : memref<20480xf32, #tpu.memory_space<hbm>>) target(%arg5 : memref<20480xf32, #tpu.memory_space<vmem_shared>>) target_semaphore(%arg11 : memref<!tpu.dma_semaphore, #tpu.memory_space<semaphore_mem>>)
      %dma_wait3A_78 = arith.constant 0 : i32
      %dma_wait3A_79 = arith.constant 0 : i32
      %dma_wait3A_80 = tpu.memref_slice %arg2[%dma_wait3A_78, %dma_wait3A_79] : memref<1x20480xf32, #tpu.memory_space<hbm>> -> memref<1x20480xf32, #tpu.memory_space<hbm>>
      %dma_wait3A_81 = tpu.memref_squeeze %dma_wait3A_80 : memref<1x20480xf32, #tpu.memory_space<hbm>> -> memref<20480xf32, #tpu.memory_space<hbm>>
      tpu.wait_dma2 semaphore(%arg11 : memref<!tpu.dma_semaphore, #tpu.memory_space<semaphore_mem>>) src(%dma_wait3A_81 : memref<20480xf32, #tpu.memory_space<hbm>>) dst(%arg5 : memref<20480xf32, #tpu.memory_space<vmem_shared>>)
    } else {
    }
    %barrier3A = arith.constant 0 : index
    tpu.barrier barrier_id(%barrier3A)
    tpu.enqueue_dma source(%arg5 : memref<20480xf32, #tpu.memory_space<vmem_shared>>) target(%arg6 : memref<20480xf32, #tpu.memory_space<vmem>>) target_semaphore(%arg9 : memref<!tpu.dma_semaphore, #tpu.memory_space<semaphore_mem>>)
    tpu.wait_dma2 semaphore(%arg9 : memref<!tpu.dma_semaphore, #tpu.memory_space<semaphore_mem>>) src(%arg5 : memref<20480xf32, #tpu.memory_space<vmem_shared>>) dst(%arg6 : memref<20480xf32, #tpu.memory_space<vmem>>)
    %dma_wait3A = arith.constant 0 : i32
    %dma_wait3A_63 = arith.constant 0 : i32
    %dma_wait3A_64 = tpu.memref_slice %arg7[%dma_wait3A, %dma_wait3A_63] <%mul3A_51> : memref<2x10112xi32, #tpu.memory_space<vmem>> -> memref<2x?xi32, #tpu.memory_space<vmem>>
    %dma_wait3A_65 = arith.constant 0 : i32
    %dma_wait3A_66 = tpu.memref_slice %arg3[%dma_wait3A_65, %mul3A_48] <%mul3A_51> : memref<2x320000xi32, #tpu.memory_space<hbm>> -> memref<2x?xi32, #tpu.memory_space<hbm>>
    %dma_wait3A_67 = arith.constant 0 : i32
    %dma_wait3A_68 = arith.constant 0 : i32
    %dma_wait3A_69 = tpu.memref_slice %arg7[%dma_wait3A_67, %dma_wait3A_68] <%mul3A_51> : memref<2x10112xi32, #tpu.memory_space<vmem>> -> memref<2x?xi32, #tpu.memory_space<vmem>>
    %dma_wait3A_70 = arith.constant 0 : i32
    %dma_wait3A_71 = tpu.memref_slice %arg3[%dma_wait3A_70, %mul3A_48] <%mul3A_51> : memref<2x320000xi32, #tpu.memory_space<hbm>> -> memref<2x?xi32, #tpu.memory_space<hbm>>
    tpu.wait_dma2 semaphore(%arg10 : memref<!tpu.dma_semaphore, #tpu.memory_space<semaphore_mem>>) src(%dma_wait3A_71 : memref<2x?xi32, #tpu.memory_space<hbm>>) dst(%dma_wait3A_69 : memref<2x?xi32, #tpu.memory_space<vmem>>)
    %broadcast_in_dim3A = arith.constant 10240 : i32
    %broadcast_in_dim3A_72 = vector.broadcast %broadcast_in_dim3A : i32 to vector<16xi32>
    %parallel_loop3A = arith.constant 0 : i32
    %parallel_loop3A_73 = arith.constant 16 : i32
    scf.for %parallel_loop3A_74 = %parallel_loop3A to %mul3A_51 step %parallel_loop3A_73  : i32 {
      %parallel_loop3A_75 = arith.constant 0 : i32
      %parallel_loop3A_76 = arith.index_cast %parallel_loop3A_75 : i32 to index
      %parallel_loop3A_77 = arith.index_cast %parallel_loop3A_74 : i32 to index
      %parallel_loop3A_78 = tpu.vector_load %arg7[%parallel_loop3A_76, %parallel_loop3A_77] {strides = array<i32>} : memref<2x10112xi32, #tpu.memory_space<vmem>>, vector<16xi32>,
      %parallel_loop3A_79 = arith.constant 1 : i32
      %parallel_loop3A_80 = arith.index_cast %parallel_loop3A_79 : i32 to index
      %parallel_loop3A_81 = arith.index_cast %parallel_loop3A_74 : i32 to index
      %parallel_loop3A_82 = tpu.vector_load %arg7[%parallel_loop3A_80, %parallel_loop3A_81] {strides = array<i32>} : memref<2x10112xi32, #tpu.memory_space<vmem>>, vector<16xi32>,
      %parallel_loop3A_83 = tpu.vector_load_idx %arg6[%parallel_loop3A_78] : memref<20480xf32, #tpu.memory_space<vmem>>[vector<16xi32>], vector<16xf32>,
      %parallel_loop3A_84 = arith.addi %parallel_loop3A_82, %broadcast_in_dim3A_72 : vector<16xi32>
      %parallel_loop3A_85 = tpu.vector_load_idx %arg6[%parallel_loop3A_84] : memref<20480xf32, #tpu.memory_space<vmem>>[vector<16xi32>], vector<16xf32>,
      %parallel_loop3A_86 = arith.addf %parallel_loop3A_83, %parallel_loop3A_85 : vector<16xf32>
      %parallel_loop3A_87 = arith.index_cast %parallel_loop3A_74 : i32 to index
      %parallel_loop3A_88 = tpu.vector_load %arg8[%parallel_loop3A_87] {strides = array<i32>} : memref<10112xf32, #tpu.memory_space<vmem>>, vector<16xf32>,
      tpu.vector_store %arg8[%parallel_loop3A_87], %parallel_loop3A_86 {strides = array<i32>} : memref<10112xf32, #tpu.memory_space<vmem>>, vector<16xf32>,
    } {sc.loop_unroll_factor = 8 : i64, sc.parallel_access}
    %run_scoped3A = arith.constant 0 : i32
    "tpu.region"() ({
      %run_scoped3A_74 = tpu.sem_alloc : memref<!tpu.dma_semaphore, #tpu.memory_space<semaphore_mem>>
      %dma_start3A_75 = arith.constant 0 : i32
      %dma_start3A_76 = tpu.memref_slice %arg8[%dma_start3A_75] <%mul3A_51> : memref<10112xf32, #tpu.memory_space<vmem>> -> memref<?xf32, #tpu.memory_space<vmem>>
      %dma_start3A_77 = tpu.memref_slice %arg4[%run_scoped3A, %mul3A_48] <%mul3A_51> : memref<1x320000xf32, #tpu.memory_space<hbm>> -> memref<1x?xf32, #tpu.memory_space<hbm>>
      %dma_start3A_78 = tpu.memref_squeeze %dma_start3A_77 : memref<1x?xf32, #tpu.memory_space<hbm>> -> memref<?xf32, #tpu.memory_space<hbm>>
      %dma_start3A_79 = tpu.memref_slice %arg4[%run_scoped3A, %mul3A_48] <%mul3A_51> : memref<1x320000xf32, #tpu.memory_space<hbm>> -> memref<1x?xf32, #tpu.memory_space<hbm>>
      %dma_start3A_80 = tpu.memref_squeeze %dma_start3A_79 : memref<1x?xf32, #tpu.memory_space<hbm>> -> memref<?xf32, #tpu.memory_space<hbm>>
      %dma_start3A_81 = arith.constant 0 : i32
      %dma_start3A_82 = tpu.memref_slice %arg8[%dma_start3A_81] <%mul3A_51> : memref<10112xf32, #tpu.memory_space<vmem>> -> memref<?xf32, #tpu.memory_space<vmem>>
      tpu.enqueue_dma source(%dma_start3A_82 : memref<?xf32, #tpu.memory_space<vmem>>) target(%dma_start3A_80 : memref<?xf32, #tpu.memory_space<hbm>>) target_semaphore(%run_scoped3A_74 : memref<!tpu.dma_semaphore, #tpu.memory_space<semaphore_mem>>)
      %dma_wait3A_83 = arith.constant 0 : i32
      %dma_wait3A_84 = tpu.memref_slice %arg8[%dma_wait3A_83] <%mul3A_51> : memref<10112xf32, #tpu.memory_space<vmem>> -> memref<?xf32, #tpu.memory_space<vmem>>
      %dma_wait3A_85 = tpu.memref_slice %arg4[%run_scoped3A, %mul3A_48] <%mul3A_51> : memref<1x320000xf32, #tpu.memory_space<hbm>> -> memref<1x?xf32, #tpu.memory_space<hbm>>
      %dma_wait3A_86 = tpu.memref_squeeze %dma_wait3A_85 : memref<1x?xf32, #tpu.memory_space<hbm>> -> memref<?xf32, #tpu.memory_space<hbm>>
      %dma_wait3A_87 = tpu.memref_slice %arg4[%run_scoped3A, %mul3A_48] <%mul3A_51> : memref<1x320000xf32, #tpu.memory_space<hbm>> -> memref<1x?xf32, #tpu.memory_space<hbm>>
      %dma_wait3A_88 = tpu.memref_squeeze %dma_wait3A_87 : memref<1x?xf32, #tpu.memory_space<hbm>> -> memref<?xf32, #tpu.memory_space<hbm>>
      %dma_wait3A_89 = arith.constant 0 : i32
      %dma_wait3A_90 = tpu.memref_slice %arg8[%dma_wait3A_89] <%mul3A_51> : memref<10112xf32, #tpu.memory_space<vmem>> -> memref<?xf32, #tpu.memory_space<vmem>>
      tpu.wait_dma2 semaphore(%run_scoped3A_74 : memref<!tpu.dma_semaphore, #tpu.memory_space<semaphore_mem>>) src(%dma_wait3A_90 : memref<?xf32, #tpu.memory_space<vmem>>) dst(%dma_wait3A_88 : memref<?xf32, #tpu.memory_space<hbm>>)
      tpu.yield
    }) : () -> ()
    return
  }
}

module attributes {stable_mosaic.version = 14 : i64} {
  func.func @_matmul_body(%arg0: memref<10000x128xf32, #tpu.memory_space<vmem>>, %arg1: memref<1x128xf32, #tpu.memory_space<vmem>>, %arg2: memref<1x128xf32, #tpu.memory_space<vmem>>, %arg3: memref<1x20480xf32, #tpu.memory_space<vmem>>) attributes {dimension_semantics = [], scalar_prefetch = 0 : i64, scratch_operands = 0 : i64, tpu.core_type = #tpu.core_type<tc>} {
    %get3A = arith.constant 0 : index
    %get3A_0 = arith.constant 0 : index
    %get3A_1 = vector.load %arg1[%get3A, %get3A_0] : memref<1x128xf32, #tpu.memory_space<vmem>>, vector<1x128xf32>
    %get3A_2 = arith.constant 0 : index
    %get3A_3 = arith.constant 0 : index
    %get3A_4 = vector.load %arg2[%get3A_2, %get3A_3] : memref<1x128xf32, #tpu.memory_space<vmem>>, vector<1x128xf32>
    %concatenate3A = tpu.concatenate %get3A_1, %get3A_4 in 0 : vector<1x128xf32>, vector<1x128xf32> -> vector<2x128xf32>
    %get3A_5 = arith.constant 0 : index
    %get3A_6 = arith.constant 0 : index
    %get3A_7 = vector.load %arg0[%get3A_5, %get3A_6] : memref<10000x128xf32, #tpu.memory_space<vmem>>, vector<10000x128xf32>
    %dot_general3A = arith.constant dense<0.000000e+00> : vector<2x10000xf32>
    %dot_general3A_8 = tpu.matmul %concatenate3A, %get3A_7, %dot_general3A {dimension_numbers = #tpu.dot_dimension_numbers<[1], [1], [0], [0], [0, 0, 1, 0], [], []>, transpose_lhs_hint = false} : vector<2x128xf32>, vector<10000x128xf32>, vector<2x10000xf32> -> vector<2x10000xf32>
    %slice3A = vector.extract_strided_slice %dot_general3A_8 {offsets = [0, 0], sizes = [1, 10000], strides = [1, 1]} : vector<2x10000xf32> to vector<1x10000xf32>
    %swap3A = arith.constant 0 : index
    %swap3A_9 = arith.constant 0 : index
    %swap3A_10 = vector.load %arg3[%swap3A, %swap3A_9] : memref<1x20480xf32, #tpu.memory_space<vmem>>, vector<1x10000xf32>
    tpu.vector_store %arg3[%swap3A, %swap3A_9], %slice3A {strides = array<i32>} : memref<1x20480xf32, #tpu.memory_space<vmem>>, vector<1x10000xf32>,
    %slice3A_11 = vector.extract_strided_slice %dot_general3A_8 {offsets = [1, 0], sizes = [1, 10000], strides = [1, 1]} : vector<2x10000xf32> to vector<1x10000xf32>
    %swap3A_12 = arith.constant 0 : index
    %swap3A_13 = arith.constant 10240 : index
    %swap3A_14 = vector.load %arg3[%swap3A_12, %swap3A_13] : memref<1x20480xf32, #tpu.memory_space<vmem>>, vector<1x10000xf32>
    tpu.vector_store %arg3[%swap3A_12, %swap3A_13], %slice3A_11 {strides = array<i32>} : memref<1x20480xf32, #tpu.memory_space<vmem>>, vector<1x10000xf32>,
    return
  }
}

</mosaic_0001>

<sc_bundles>
// kernel: kernel.4.cloned.1.call-start
scs
__scs_entry_jumppad:
0x0: {  	(pc) =	sbr.rel $0x88, $3  }
0x1: {  	(tag) =	ssettag $0x0;
	lr =	simm.s32 $0x1  }
0x2: {  	[smem:$0x3F9D] =	sst lr;
	_ =	strace $0xD0000000  }
0x3: {  	_ = 	snop  }
0x4: {  	_ = 	snop  }
0x5: {  	_ = 	snop  }
0x6: {  	_ = 	snop  }
0x7: {  	_ = 	snop  }
__scs_overlays_trampoline_lowered:
0x8: {  	[smem:$0x3FAC] =	sst s0  }
0x9: {  	[smem:$0x3FAD] =	sst s1  }
0xa: {  	[smem:$0x3FAE] =	sst s2  }
0xb: {  	[smem:$0x3FAF] =	sst s3  }
0xc: {  	[smem:$0x3FB0] =	sst s4  }
0xd: {  	[smem:$0x3FB1] =	sst s5  }
0xe: {  	[smem:$0x3FB2] =	sst s6  }
0xf: {  	[smem:$0x3FB3] =	sst s7  }
0x10: {  	[smem:$0x3FB4] =	sst s8  }
0x11: {  	[smem:$0x3FB5] =	sst s9;
	s0 =	simm.s32 @!p0 $0x0  }
0x12: {  	s1 =	sld [smem:$0x3F9B];
	s0 =	simm.s32 @p0 $0x1  }
0x13: {  	[smem:$0x3FB6] =	sst s0;
	s0 =	simm.s32 @!p1 $0x0  }
0x14: {  	s2 =	sld [smem:$0x3F9A];
	s0 =	simm.s32 @p1 $0x1  }
0x15: {  	[smem:$0x3FB7] =	sst s0;
	s0 =	simm.s32 @!p2 $0x0  }
0x16: {  	s3 =	sld [smem:$0x3FDB];
	s0 =	simm.s32 @p2 $0x1  }
0x17: {  	s4 =	simm.s32 $0x1BF5;
	[smem:$0x3FB9] =	sst s0  }
0x18: {  	s0 =	sld [smem:$0x3F9C];
	_ =	swait.ge [sflag:s4], $0x0  }
0x19: {  	s7 =	sld [smem:$0x3F9D]  }
0x1a: {  	s8 =	sadd.s32 $0xFFFFE003, lr  }
0x1b: {  	s9 =	sadd.s32 $0xFFFFFEF7, lr;
	s5 =	simm.s32 $0xFFFFFFFF;
	p2 =	slt.u32 s8, $0xFFFFF086  }
0x1c: {  	p1 =	slt.u32 s9, $0xF7A;
	s5 =	simm.s32 @!p2 $0x0  }
0x1d: {  	s5 =	simm.s32 @p1 $0x1;
	p0 =	seq.s32 s7, s2  }
0x1e: {  	s7 =	smul.u32 @!p0 $0xF7A, s2;
	p2 =	seq.s32 @!p0 s5, $0x0  }
0x1f: {  	s9 =	smul.u32 $0xF7A, s1;
	s8 =	simm.s32 @!p0 $0x1BF5;
	p2 =	por !p2, p0  }
0x20: {  	[sflag:s8] =	ssyncset.s32 @!p0 $0xFFFFF086;
	s6 =	sadd.s32 @!p0 s3, s7;
	s7 =	simm.s32 @!p0 $0x108  }
0x21: {  	s3 =	sadd.s32 s3, s9;
	s6 =	sadd.s32 @!p0 $0x88, s6;
	s7 =	simm.s32 @p2 $0x1082  }
0x22: {  	[simem:s7], [sflag:s8] =	dma.local @!p0 [hbm:s6], $0xF7A  }
0x23: {  	s9 =	sor.u32 $0xD0000000, s2;
	s6 =	simm.s32 $0x108;
	_ =	swait.ge @!p0 [sflag:s8], $0x0  }
0x24: {  	s3 =	sadd.s32 $0x88, s3;
	s6 =	simm.s32 @!p1 $0x1082;
	[sflag:s4] =	ssyncset.s32 $0xFFFFF086  }
0x25: {  	[simem:s6], [sflag:s4] =	dma.local [hbm:s3], $0xF7A  }
0x26: {  	[smem:$0x3F9D] =	sst s1;
	(tag) =	ssettag s2;
	_ =	strace s9  }
0x27: {  	s1 =	sld [smem:$0x3FAD]  }
0x28: {  	s2 =	sld [smem:$0x3FAE]  }
0x29: {  	s4 =	sld [smem:$0x3FB0]  }
0x2a: {  	p0 =	seq.s32 s5, $0x0;
	s5 =	sld [smem:$0x3FB1]  }
0x2b: {  	s6 =	sld [smem:$0x3FB2]  }
0x2c: {  	s7 =	sld [smem:$0x3FB3]  }
0x2d: {  	s3 =	simm.s32 $0x108;
	s8 =	sld [smem:$0x3FB4]  }
0x2e: {  	s3 =	simm.s32 @!p0 $0x1082;
	s9 =	sld [smem:$0x3FB5]  }
0x2f: {  	lr =	sadd.s32 s0, s3;
	s0 =	sld [smem:$0x3FAC]  }
0x30: {  	s3 =	sld [smem:$0x3FAF]  }
0x31: {  	[smem:$0x3FB8] =	sst s10  }
0x32: {  	s10 =	sld [smem:$0x3FB6];
	_ =	sdelay $0x3  }
0x33: {  	p0 =	seq.s32 s10, $0x1;
	s10 =	sld [smem:$0x3FB8];
	_ =	sdelay $0x3  }
0x34: {  	[smem:$0x3FB8] =	sst s10  }
0x35: {  	s10 =	sld [smem:$0x3FB7];
	_ =	sdelay $0x3  }
0x36: {  	p1 =	seq.s32 s10, $0x1;
	s10 =	sld [smem:$0x3FB8];
	_ =	sdelay $0x3  }
0x37: {  	[smem:$0x3FB8] =	sst s10  }
0x38: {  	s10 =	sld [smem:$0x3FB9]  }
0x39: {  	_ = 	snop;
	(pc) =	sbr.ind lr, $3  }
0x3a: {  	_ = 	snop  }
0x3b: {  	_ = 	snop  }
0x3c: {  	p2 =	seq.s32 s10, $0x1;
	s10 =	sld [smem:$0x3FB8]  }
0x3d: {  	_ =	shalt  }
0x3e: {  	_ =	shalt  }
0x3f: {  	_ =	shalt  }
0x40: {  	_ =	shalt  }
0x41: {  	_ =	shalt  }
0x42: {  	_ =	shalt  }
0x43: {  	_ =	shalt  }
0x44: {  	_ =	shalt  }
0x45: {  	_ =	shalt  }
0x46: {  	_ =	shalt  }
0x47: {  	_ =	shalt  }
0x48: {  	_ =	shalt  }
0x49: {  	_ =	shalt  }
0x4a: {  	_ =	shalt  }
0x4b: {  	_ =	shalt  }
0x4c: {  	_ =	shalt  }
0x4d: {  	_ =	shalt  }
0x4e: {  	_ =	shalt  }
0x4f: {  	_ =	shalt  }
0x50: {  	_ =	shalt  }
0x51: {  	_ =	shalt  }
0x52: {  	_ =	shalt  }
0x53: {  	_ =	shalt  }
0x54: {  	_ =	shalt  }
0x55: {  	_ =	shalt  }
0x56: {  	_ =	shalt  }
0x57: {  	_ =	shalt  }
0x58: {  	_ =	shalt  }
0x59: {  	_ =	shalt  }
0x5a: {  	_ =	shalt  }
0x5b: {  	_ =	shalt  }
0x5c: {  	_ =	shalt  }
0x5d: {  	_ =	shalt  }
0x5e: {  	_ =	shalt  }
0x5f: {  	_ =	shalt  }
0x60: {  	_ =	shalt  }
0x61: {  	_ =	shalt  }
0x62: {  	_ =	shalt  }
0x63: {  	_ =	shalt  }
0x64: {  	_ =	shalt  }
0x65: {  	_ =	shalt  }
0x66: {  	_ =	shalt  }
0x67: {  	_ =	shalt  }
0x68: {  	_ =	shalt  }
0x69: {  	_ =	shalt  }
0x6a: {  	_ =	shalt  }
0x6b: {  	_ =	shalt  }
0x6c: {  	_ =	shalt  }
0x6d: {  	_ =	shalt  }
0x6e: {  	_ =	shalt  }
0x6f: {  	_ =	shalt  }
0x70: {  	_ =	shalt  }
0x71: {  	_ =	shalt  }
0x72: {  	_ =	shalt  }
0x73: {  	_ =	shalt  }
0x74: {  	_ =	shalt  }
0x75: {  	_ =	shalt  }
0x76: {  	_ =	shalt  }
0x77: {  	_ =	shalt  }
0x78: {  	_ =	shalt  }
0x79: {  	_ =	shalt  }
0x7a: {  	_ =	shalt  }
0x7b: {  	_ =	shalt  }
0x7c: {  	_ =	shalt  }
0x7d: {  	_ =	shalt  }
0x7e: {  	_ =	shalt  }
0x7f: {  	_ =	shalt  }
0x80: {  	_ =	shalt  }
0x81: {  	_ =	shalt  }
0x82: {  	_ =	shalt  }
0x83: {  	_ =	shalt  }
0x84: {  	_ =	shalt  }
0x85: {  	_ =	shalt  }
0x86: {  	_ =	shalt  }
0x87: {  	_ =	shalt  }
.Lfunc_end0:
.L_simem_size_0:
called_computation_lowered:
.L_overlay_start_0:
0x88: {  	s2 =	sld [smem:$0x3FD9]  }
0x89: {  	s3 =	sld [smem:$0x3FFE];
	_ =	sdelay $0x1  }
0x8a: {  	s1 =	srdreg.scid  }
0x8b: {  	s0 =	sand.u32 $0x1, s1  }
0x8c: {  	s17 =	sshll.u32 s0, $0xA;
	s2 =	sadd.s32 s3, s2  }
0x8d: {  	s2 =	sadd.s32 s2, s17  }
0x8e: {  	[smem:$0x3FC4] =	sst s2  }
0x8f: {  	_ = 	snop  }
0x90: {  	s2 =	sld [smem:$0x3FC8]  }
0x91: {  	s18 =	sld [smem:$0x3FD0];
	(tm) =	ssettm $0x1  }
0x92: {  	s4 =	sld [smem:$0x3FFB];
	_ =	sdelay $0x3  }
0x93: {  	_ =	strace s4  }
0x94: {  	s4 =	sld [smem:$0x3FFC];
	_ =	sdelay $0x3  }
0x95: {  	_ =	strace s4  }
0x96: {  	s4 =	sld [smem:$0x3FFD];
	_ =	sdelay $0x3  }
0x97: {  	_ =	strace s4  }
0x98: {  	_ =	strace $0x8FFFFFFF  }
0x99: {  	s19 =	sld [smem:$0x3FDB];
	_ =	sdelay $0x1  }
0x9a: {  	s5 =	simm.s32 $_scs_section_size  }
0x9b: {  	s6 =	simm.s32 $_size__tile_overlayer_lowered;
	s7 =	simm.s32 $_tile_overlayer_lowered  }
0x9c: {  	s22 =	simm.s32 $0x1BFF;
	s21 =	sshll.u32 s7, $0x1;
	s4 =	sadd.s32 s5, s19  }
0x9d: {  	s8 =	simm.s32 $0x0;
	s20 =	sshll.u32 s6, $0x1;
	s6 =	sadd.s32 s21, s4  }
0x9e: {  	[timem:s8], [sflag:s22] =	dma.local [hbm:s6], s20  }
0x9f: {  	_ =	swait.ge [sflag:s22], s20  }
0xa0: {  	s5 =	ssub.s32 $0x0, s20;
	[sflag:s22] =	ssyncset.done $0x0  }
0xa1: {  	[sflag:s22] =	ssyncadd.s32 s5;
	_ =	sdelay $0x1  }
0xa2: {  	s23 =	simm.s32 $0x1B8B  }
0xa3: {  	_ =	swait.ge [sflag:s23], $0x1  }
0xa4: {  	[sflag:s23] =	ssyncset.done $0x0  }
0xa5: {  	s25 =	simm.s32 $0x1B8E;
	s24 =	sld [smem:$0x3FFE];
	[sflag:s23] =	ssyncadd.s32 $0xFFFFFFFF  }
0xa6: {  	s26 =	simm.s32 $execute0_lowered;
	[smem:$0x3FD2] =	sst s25  }
0xa7: {  	s6 =	sshll.u32 s26, $0x1;
	_ =	strace $0x80000046;
	[dreg:$0x1] =	wrdreg $0xFFFFFFFF  }
0xa8: {  	s28 =	simm.s32 $_size_execute0_lowered;
	s4 =	sadd.s32 s4, s6;
	[dreg:$0x0] =	wrdreg $0x0  }
0xa9: {  	s6 =	sshll.u32 s28, $0x1;
	[dreg:$0x2] =	wrdreg s4  }
0xaa: {  	[dreg:$0x3] =	wrdreg s6  }
0xab: {  	[dreg:$0x4] =	wrdreg $0xC0  }
0xac: {  	_ =	task [dreg:s8], $0x5FFFF  }
0xad: {  	[dreg:$0x1] =	wrdreg $0xFFFFFFFF  }
0xae: {  	[dreg:$0x0] =	wrdreg $0x60  }
0xaf: {  	[dreg:$0x2] =	wrdreg s24  }
0xb0: {  	[dreg:$0x3] =	wrdreg s2  }
0xb1: {  	[dreg:$0x4] =	wrdreg s18  }
0xb2: {  	[dreg:$0x5] =	wrdreg $0x0  }
0xb3: {  	[dreg:$0x6] =	wrdreg $0x9  }
0xb4: {  	_ =	task.clear_ibuf [dreg:s8], $0x7FFFF;
	_ =	strace $0x90000046  }
0xb5: {  	s29 =	simm.s32 $0x9;
	_ =	strace $0x80000048  }
0xb6: {  	_ =	swait.ge [sflag:s29], $0x1  }
0xb7: {  	[sflag:s29] =	ssyncadd.s32 $0xFFFFFFFF  }
0xb8: {  	_ =	strace $0x90000048  }
0xb9: {  	_ =	sfence  }
0xba: {  	s30 =	sld [smem:$0x0];
	_ =	sdelay $0x2  }
0xbb: {  	s31 =	sshll.u32 s1, $0xD;
	s1 =	sshrl.u32 s1, $0x2  }
0xbc: {  	s3 =	sand.u32 $0x4000, s31;
	s1 =	sadd.s32 s1, s30  }
0xbd: {  	s0 =	sor.u32 s3, s0;
	s1 =	sshll.u32 s1, $0x11  }
0xbe: {  	s0 =	sor.u32 s1, s0  }
0xbf: {  	s0 =	sadd.s32 $0x8F2B, s0  }
0xc0: {  	[sflag:s0] =	ssyncadd.remote.s32 $0x1  }
0xc1: {  	_ =	sfence.sel $0xFFFF  }
0xc2: {  	[dreg:$0x0] =	wrdreg $0xFFFFFFFF;
	(pc) =	sbr.abs _section_cstart, $3  }
0xc3: {  	[dreg:$0x1] =	wrdreg $0xFFFFFFFF  }
0xc4: {  	_ =	task.clear_ibuf [dreg:s8], $0x2FFFF;
	_ =	strace $0x9FFFFFFF  }
0xc5: {  	(tm) =	ssettm $0x7FFFFFFF  }
tec
execute0_lowered:
.L_overlay_start_1:
0x0: {  	(tag) =	ssettag $0x1  }
0x1: {  	s3 =	rddreg [dreg:$0x0]  }
0x2: {  	s6 =	rddreg [dreg:$0x1]  }
0x3: {  	s0 =	srdreg.scid;
	s8 =	rddreg [dreg:$0x2]  }
0x4: {  	s11 =	stileid.u32;
	s1 =	rddreg [dreg:$0x3];
	s2 =	simm.s32 $0x0  }
0x5: {  	s14 =	simm.s32 $0x1;
	s15 =	simm.s32 $0x2;
	s16 =	simm.s32 $0xA400  }
0x6: {  	s17 =	simm.s32 $0x4;
	s4 =	sand.u32 $0x1, s0;
	s0 =	rddreg [dreg:$0x4]  }
0x7: {  	s18 =	simm.s32 $0x0;
	s29 =	sshll.u32 s11, $0x1;
	[smem:$0x7FF] =	sst s2  }
0x8: {  	s3 =	sadd.s32 $0xC00, s3;
	s5 =	sor.u32 s4, s29;
	s4 =	ssub.s32 $0x2, s4  }
0x9: {  	p0 =	sne.s32 s11, $0x0;
	s5 =	smul.u32 $0x9C4, s5;
	s10 =	sshrl.u32 s4, $0x1  }
0xa: {  	s11 =	simm.s32 $0x5500;
	_ =	strace $0x80000047;
	s10 =	ssub.s32 s4, s10  }
0xb: {  	s7 =	sadd.s32 $0x9C4, s5;
	s9 =	sshrl.u32 s5, $0x5;
	s30 =	sshrl.u32 s5, $0x1  }
.Ltmp0:
0xc: {  	s31 =	sand.u32 $0x1FFE0, s5;
	s10 =	smax.u32 s10, $0x1;
	(pc) =	sbr.rel .LBB2_1-.Ltmp0, $4  }
0xd: {  	s7 =	sshrl.u32 s7, $0x5;
	s12 =	sand.u32 $0xFFF0, s30;
	s6 =	sadd.s32 s6, s31  }
0xe: {  	s13 =	ssub.s32 s7, s9;
	s8 =	sadd.s32 s8, s12;
	s12 =	sshrl.u32 @!p0 s1, $0x3  }
0xf: {  	s4 =	sshll.u32 s13, $0x7;
	s5 =	sshll.u32 s13, $0x8;
	p1 =	slt.s32 s13, $0x1  }
0x10: {  	s13 =	simm.s32 $0x500;
	s7 =	ssub.s32 $0x0, s5;
	s9 =	ssub.s32 $0x0, s4  }
.LBB2_4:
0x11: {  	v5 =	vadd.f32 v5, v11  }
0x12: {  	[tilespmem:s19+$0xFFFFFFC0] =	vst v12;
	v4 =	vadd.f32 v4, v10  }
0x13: {  	v3 =	vadd.f32 v3, v9;
	[tilespmem:s19+$0xFFFFFFD0] =	vst v5  }
0x14: {  	v2 =	vadd.f32 v2, v8;
	[tilespmem:s19+$0xFFFFFFE0] =	vst v4  }
0x15: {  	v1 =	vadd.f32 v1, v6;
	[tilespmem:s19+$0xFFFFFFF0] =	vst v3  }
0x16: {  	v0 =	vadd.f32 v0, v7;
	[tilespmem:s19+$0x0] =	vst v2  }
0x17: {  	[tilespmem:s19+$0x10] =	vst v1  }
0x18: {  	[tilespmem:s19+$0x20] =	vst v0  }
.LBB2_5:
0x19: {  	s18 =	sadd.s32 $0x1, s18  }
0x1a: {  	p2 =	seq.s32 s18, s10  }
.Ltmp1:
0x1b: {  	_ = 	snop;
	(pc) =	sbr.rel @p2 .LBB2_6-.Ltmp1, $4  }
0x1c: {  	[hbm4b:s8+s2] =	stream.linear.scatter [tilespmem:s16], [sflag:$0x4], s4, $0x38;
	[tilespmem:$0xCB80] =	vst v63  }
0x1d: {  	_ =	swait.ge [sflag:s17], s4  }
0x1e: {  	[sflag:s17] =	ssyncset.done $0x0  }
0x1f: {  	[sflag:s17] =	ssyncadd.s32 s9  }
.LBB2_1:
0x20: {  	[tilespmem:s11], [sflag:$0x2] =	stream.linear.gather [hbm4b:s6+s2], s5, $0x38;
	[tilespmem:$0xCB80] =	vst v63  }
0x21: {  	s19 =	simm.s32 @!p0 $0x1C03  }
0x22: {  	[spmem:s12], [sflag:s19] =	dma.local @!p0 [hbm:s3], $0xA00  }
0x23: {  	s19 =	simm.s32 @!p0 $0x3  }
0x24: {  	_ =	swait.ge @!p0 [sflag:s19], $0xA00  }
0x25: {  	[sflag:s19] =	ssyncset.done @!p0 $0x0  }
0x26: {  	[sflag:s19] =	ssyncadd.s32 @!p0 $0xFFFFF600  }
0x27: {  	[bflag:$0x0] =	sbarrier.arrive $0xFFFF  }
0x28: {  	[tilespmem:s13], [sflag:$0x1] =	stream.linear.gather [spmem:s1], $0x5000, $0x38;
	[tilespmem:$0xCB80] =	vst v63  }
0x29: {  	_ =	swait.ge [sflag:s14], $0x5000  }
.Ltmp2:
0x2a: {  	[sflag:s14] =	ssyncset.done $0x0;
	(pc) =	sbr.rel @p1 .LBB2_5-.Ltmp2, $4  }
0x2b: {  	[sflag:s14] =	ssyncadd.s32 $0xFFFFB000  }
0x2c: {  	_ =	swait.ge [sflag:s15], s5  }
0x2d: {  	[sflag:s15] =	ssyncset.done $0x0  }
0x2e: {  	[sflag:s15] =	ssyncadd.s32 s7  }
0x2f: {  	s20 =	simm.s32 $0x5580  }
0x30: {  	v0 =	vld [tilespmem:s20+$0x70]  }
0x31: {  	v1 =	vld [tilespmem:s20+$0xFFFFFFF0]  }
0x32: {  	v2 =	vld [tilespmem:s20+$0x0]  }
0x33: {  	v3 =	vld [tilespmem:s20+$0x10]  }
0x34: {  	v4 =	vld [tilespmem:s20+$0x20]  }
0x35: {  	v5 =	vld [tilespmem:s20+$0x30]  }
0x36: {  	v6 =	vld [tilespmem:s20+$0x40]  }
0x37: {  	v7 =	vld [tilespmem:s20+$0x50]  }
0x38: {  	v8 =	vld [tilespmem:s20+$0x60]  }
0x39: {  	v10 =	vld [tilespmem:s20+$0xFFFFFFA0]  }
0x3a: {  	v9 =	vld [tilespmem:s20+$0xFFFFFF90]  }
0x3b: {  	v14 =	vld [tilespmem:s20+$0xFFFFFFB0]  }
0x3c: {  	v15 =	vld [tilespmem:s20+$0xFFFFFFC0]  }
0x3d: {  	v11 =	vld [tilespmem:s20+$0xFFFFFF80];
	v0 =	vadd.s32 $0x2800, v0  }
0x3e: {  	v12 =	vld.idx.msk [tilespmem:v1+s13+$0x0], $0xffff;
	v1 =	vadd.s32 $0x2800, v3  }
0x3f: {  	v16 =	vld [tilespmem:s20+$0xFFFFFFD0];
	v3 =	vadd.s32 $0x2800, v5  }
0x40: {  	v17 =	vld [tilespmem:s20+$0xFFFFFFE0];
	v7 =	vadd.s32 $0x2800, v7  }
0x41: {  	v10 =	vld.idx.msk [tilespmem:v10+s13+$0x0], $0xffff  }
0x42: {  	v13 =	vld.idx.msk [tilespmem:v0+s13+$0x0], $0xffff  }
0x43: {  	v5 =	vld.idx.msk [tilespmem:v1+s13+$0x0], $0xffff  }
0x44: {  	v0 =	vadd.s32 $0x2800, v2;
	v3 =	vld.idx.msk [tilespmem:v3+s13+$0x0], $0xffff  }
0x45: {  	v2 =	vadd.s32 $0x2800, v4;
	v1 =	vld.idx.msk [tilespmem:v7+s13+$0x0], $0xffff  }
0x46: {  	v6 =	vadd.s32 $0x2800, v6;
	v7 =	vld.idx.msk [tilespmem:v11+s13+$0x0], $0xffff  }
0x47: {  	v11 =	vld.idx.msk [tilespmem:v9+s13+$0x0], $0xffff  }
0x48: {  	v9 =	vld.idx.msk [tilespmem:v14+s13+$0x0], $0xffff  }
0x49: {  	v18 =	vld.idx.msk [tilespmem:v0+s13+$0x0], $0xffff;
	v0 =	vadd.s32 $0x2800, v8  }
0x4a: {  	p2 =	sgt.s32 s4, $0x80;
	v4 =	vld.idx.msk [tilespmem:v2+s13+$0x0], $0xffff  }
.Ltmp3:
0x4b: {  	v2 =	vld.idx.msk [tilespmem:v6+s13+$0x0], $0xffff;
	(pc) =	sbr.rel @!p2 .LBB2_4-.Ltmp3, $4  }
0x4c: {  	v8 =	vld.idx.msk [tilespmem:v15+s13+$0x0], $0xffff  }
0x4d: {  	v12 =	vadd.f32 v13, v12;
	v6 =	vld.idx.msk [tilespmem:v16+s13+$0x0], $0xffff  }
0x4e: {  	s19 =	simm.s32 $0xA440;
	v0 =	vld.idx.msk [tilespmem:v0+s13+$0x0], $0xffff  }
0x4f: {  	s21 =	simm.s32 $0x5680;
	s20 =	simm.s32 $0x80;
	[tilespmem:s19+$0x30] =	vst v12;
	v12 =	vadd.f32 v18, v7;
	v7 =	vld.idx.msk [tilespmem:v17+s13+$0x0], $0xffff  }
.LBB2_3:
0x50: {  	v13 =	vld [tilespmem:s21+$0x70];
	s20 =	sadd.s32 $0x80, s20;
	v5 =	vadd.f32 v5, v11  }
0x51: {  	v4 =	vadd.f32 v4, v10;
	v11 =	vld [tilespmem:s21+$0xFFFFFFF0];
	p2 =	slt.s32 s20, s4;
	[tilespmem:s19+$0xFFFFFFC0] =	vst v12  }
0x52: {  	v3 =	vadd.f32 v3, v9;
	v10 =	vld [tilespmem:s21+$0x0];
	[tilespmem:s19+$0xFFFFFFD0] =	vst v5  }
0x53: {  	v2 =	vadd.f32 v2, v8;
	v5 =	vld [tilespmem:s21+$0x10];
	[tilespmem:s19+$0xFFFFFFE0] =	vst v4  }
0x54: {  	v1 =	vadd.f32 v1, v6;
	v4 =	vld [tilespmem:s21+$0x20];
	[tilespmem:s19+$0xFFFFFFF0] =	vst v3  }
0x55: {  	v0 =	vadd.f32 v0, v7;
	v3 =	vld [tilespmem:s21+$0x30];
	v6 =	vadd.s32 $0x2800, v13;
	[tilespmem:s19+$0x0] =	vst v2  }
0x56: {  	v2 =	vld [tilespmem:s21+$0x40];
	[tilespmem:s19+$0x10] =	vst v1  }
0x57: {  	v1 =	vadd.s32 $0x2800, v10;
	v7 =	vld [tilespmem:s21+$0x50];
	[tilespmem:s19+$0x20] =	vst v0  }
0x58: {  	v0 =	vadd.s32 $0x2800, v5;
	v5 =	vld [tilespmem:s21+$0x60]  }
0x59: {  	v4 =	vadd.s32 $0x2800, v4;
	v8 =	vld.idx.msk [tilespmem:v11+s13+$0x0], $0xffff  }
0x5a: {  	v3 =	vadd.s32 $0x2800, v3;
	v6 =	vld.idx.msk [tilespmem:v6+s13+$0x0], $0xffff  }
0x5b: {  	v9 =	vld [tilespmem:s21+$0xFFFFFF90];
	v2 =	vadd.s32 $0x2800, v2  }
0x5c: {  	v10 =	vld [tilespmem:s21+$0xFFFFFFA0];
	v7 =	vadd.s32 $0x2800, v7  }
0x5d: {  	v12 =	vld [tilespmem:s21+$0xFFFFFFB0];
	v11 =	vadd.s32 $0x2800, v5  }
0x5e: {  	v13 =	vld [tilespmem:s21+$0xFFFFFFC0]  }
0x5f: {  	v14 =	vld [tilespmem:s21+$0xFFFFFFD0]  }
0x60: {  	v5 =	vadd.f32 v6, v8;
	v15 =	vld [tilespmem:s21+$0xFFFFFFE0]  }
0x61: {  	s19 =	sadd.s32 $0x80, s19;
	v6 =	vld [tilespmem:s21+$0xFFFFFF80]  }
0x62: {  	v16 =	vld.idx.msk [tilespmem:v1+s13+$0x0], $0xffff;
	[tilespmem:s19+$0x30] =	vst v5  }
0x63: {  	v5 =	vld.idx.msk [tilespmem:v0+s13+$0x0], $0xffff  }
0x64: {  	v4 =	vld.idx.msk [tilespmem:v4+s13+$0x0], $0xffff  }
0x65: {  	v3 =	vld.idx.msk [tilespmem:v3+s13+$0x0], $0xffff  }
0x66: {  	v2 =	vld.idx.msk [tilespmem:v2+s13+$0x0], $0xffff  }
0x67: {  	v1 =	vld.idx.msk [tilespmem:v7+s13+$0x0], $0xffff  }
0x68: {  	v0 =	vld.idx.msk [tilespmem:v11+s13+$0x0], $0xffff  }
0x69: {  	v7 =	vld.idx.msk [tilespmem:v6+s13+$0x0], $0xffff  }
0x6a: {  	v11 =	vld.idx.msk [tilespmem:v9+s13+$0x0], $0xffff  }
.Ltmp4:
0x6b: {  	v10 =	vld.idx.msk [tilespmem:v10+s13+$0x0], $0xffff;
	(pc) =	sbr.rel @p2 .LBB2_3-.Ltmp4, $4  }
0x6c: {  	v9 =	vld.idx.msk [tilespmem:v12+s13+$0x0], $0xffff  }
0x6d: {  	v8 =	vld.idx.msk [tilespmem:v13+s13+$0x0], $0xffff  }
0x6e: {  	v6 =	vld.idx.msk [tilespmem:v14+s13+$0x0], $0xffff  }
0x6f: {  	s21 =	sadd.s32 $0x100, s21;
	v12 =	vadd.f32 v16, v7;
	v7 =	vld.idx.msk [tilespmem:v15+s13+$0x0], $0xffff  }
.Ltmp5:
0x70: {  	_ = 	snop;
	(pc) =	sbr.rel .LBB2_4-.Ltmp5, $1  }
0x71: {  	_ =	sdelay $0x3  }
.LBB2_6:
0x72: {  	_ =	sfence.sel $0x180000  }
0x73: {  	[bflag:$0x0] =	sbarrier.arrive $0xFFFF  }
0x74: {  	_ =	strace $0x90000047  }
0x75: {  	s0 =	sadd.s32 @!p0 $0x100000, s0;
	[bflag:$0x2] =	sbarrier.arrive $0xFFFF  }
0x76: {  	[sflag:s0] =	ssyncadd.tile.s32 @!p0 $0x1;
	_ =	shalt  }
.Lfunc_end2:
_tile_overlayer_lowered:
.L_overlay_start_2:
0x77: {  	(tag) =	ssettag $0x2  }
0x78: {  	s0 =	rddreg [dreg:$0x0];
	s2 =	stileid.u32  }
0x79: {  	s1 =	rddreg [dreg:$0x1];
	p0 =	sne.s32 s2, $0x0  }
0x7a: {  	s3 =	rddreg [dreg:$0x2];
	[bflag:$0x3] =	sbarrier.arrive $0xFFFF;
	s2 =	simm.s32 @!p0 $0x1C04  }
0x7b: {  	[timem:s3], [sflag:s2] =	dma.local @!p0 [hbm:s0], s1  }
0x7c: {  	s0 =	simm.s32 @!p0 $0x4  }
0x7d: {  	_ =	swait.ge @!p0 [sflag:s0], s1  }
0x7e: {  	s1 =	ssub.s32 @!p0 $0x0, s1;
	[sflag:s0] =	ssyncset.done @!p0 $0x0  }
0x7f: {  	[sflag:s0] =	ssyncadd.s32 @!p0 s1  }
0x80: {  	[bflag:$0x3] =	sbarrier.arrive $0xFFFF  }
0x81: {  	_ =	shalt  }

</sc_bundles>
